<compile_context>
chip_gen: v7x
topology: tpu7x:2x2x1
jax: 0.10.2.dev20260603
libtpu: 0.0.44.dev20260713+nightly
codegen_flags: <defaults>
</compile_context>

<pallas_src>
import functools

import jax
import jax.numpy as jnp
from jax import lax
from jax.experimental import pallas as pl
from jax.experimental.pallas import tpu as pltpu
from jax.experimental.pallas import tpu_sc as plsc

N = 16384
NC, NS, L = 2, 16, 16
NW = NC * NS
CHUNK = N // NW
BLK = 128
NBLK = CHUNK // BLK


@functools.partial(
    pl.kernel,
    mesh=plsc.VectorSubcoreMesh(core_axis_name="c", subcore_axis_name="s"),
    out_type=jax.ShapeDtypeStruct((N,), jnp.float32),
    compiler_params=pltpu.CompilerParams(needs_layout_passes=False),
    scratch_types=[
        pltpu.VMEM((NBLK, 2, BLK), jnp.float32),
        pltpu.VMEM((NBLK, 2, BLK), jnp.float32),
        pltpu.VMEM((8, 8), jnp.float32),
        pltpu.VMEM((8,), jnp.float32),
        pltpu.VMEM((CHUNK,), jnp.float32),
        pltpu.SemaphoreType.DMA,
    ],
)
def _sc_kernel(x_hbm, y_hbm, alphas_hbm, beta_hbm, out_hbm,
               x_v, y_v, a_v, b_v, o_v, sem):
    wid = lax.axis_index("s") * NC + lax.axis_index("c")
    base = wid * NBLK
    copies = [
        pltpu.make_async_copy(x_hbm.at[pl.ds(base, NBLK)], x_v, sem),
        pltpu.make_async_copy(y_hbm.at[pl.ds(base, NBLK)], y_v, sem),
        pltpu.make_async_copy(alphas_hbm, a_v, sem),
        pltpu.make_async_copy(beta_hbm, b_v, sem),
    ]
    for c in copies:
        c.start()
    for c in copies:
        c.wait()

    def step(j):
        blk = j >> 3
        k = (j & 7) * L
        s = pl.ds(k, L)
        t_x = x_v[blk, 0, s]
        t_y = y_v[blk, 0, s]
        xi = x_v[blk, 1, s].astype(jnp.int32)
        yi = y_v[blk, 1, s].astype(jnp.int32)
        a = plsc.load_gather(a_v, [xi, yi])
        b = plsc.load_gather(b_v, [yi])
        o_v[pl.ds(blk * BLK + k, L)] = jnp.where(
            t_x > 0.0, a * b * jnp.exp(b * (t_y - t_x)), 0.0)

    plsc.parallel_loop(0, CHUNK // L, 1, unroll=4)(step)

    pltpu.sync_copy(o_v, out_hbm.at[pl.ds(wid * CHUNK, CHUNK)])


def kernel(x, y, alphas, beta):
    xb = jnp.swapaxes(x.reshape(BLK, BLK, 2), 1, 2)
    yb = jnp.swapaxes(y.reshape(BLK, BLK, 2), 1, 2)
    return _sc_kernel(xb, yb, alphas, beta)

# --- scband reference (transcript-rebuilt; emitter-appended) ---
"""Pipeline reference for scband-multivariate-exponential-kernel-8143257993373 (READ-ONLY COPY).

The authoritative reference and input builder live on the scoring server;
editing this copy changes nothing except your own understanding.
"""

import jax, jax.numpy as jnp
import numpy as np

ALPHAS = [[0.07,0.09,0.11,0.13,0.15,0.17,0.19,0.21],[0.12,0.14,0.16,0.18,0.2,0.22,0.24,0.26],[0.17,0.19,0.21,0.23,0.25,0.27,0.29,0.31],[0.22,0.24,0.26,0.28,0.3,0.32,0.34,0.36],[0.27,0.29,0.31,0.33,0.35,0.37,0.39,0.41],[0.32,0.34,0.36,0.38,0.4,0.42,0.44,0.46],[0.37,0.39,0.41,0.43,0.45,0.47,0.49,0.51],[0.42,0.44,0.46,0.48,0.5,0.52,0.54,0.56]]
BETA = [0.5,0.6,0.7,0.8,0.9,1.0,1.1,1.2]


def setup_inputs(seed: int = 0) -> dict:
    key = jax.random.key(seed)
    k1, k2 = jax.random.split(key)
    x = jax.random.uniform(k1, (16384, 2), dtype=jnp.float32)
    y = jax.random.uniform(k2, (16384, 2), dtype=jnp.float32)
    alphas = jnp.array(ALPHAS, dtype=jnp.float32)
    beta = jnp.array(BETA, dtype=jnp.float32)
    return {"x": x, "y": y, "alphas": alphas, "beta": beta}


def reference(x, y, alphas, beta):
    # Faithful translation of Multivariate_Exponential_Kernel.forward
    xi = x[:, 1].astype(jnp.int32)
    yi = y[:, 1].astype(jnp.int32)
    alphas_hist = alphas[xi, yi]          # gather from [n_class, n_class]
    beta_hist = beta[yi]                  # gather from [n_class]
    mask = x[:, 0] > 0
    tds = (x[:, 0] - y[:, 0]) * mask
    return alphas_hist * beta_hist * jnp.exp(-beta_hist * tds) * mask

if __name__ == "__main__":
    import jax
    _d = setup_inputs()
    print(jax.jit(kernel)(*tuple(_d.values())))

</pallas_src>

<mosaic_0001>
#map = affine_map<(d0, d1) -> (0, 0, 0)>
#map1 = affine_map<(d0, d1) -> (0, 0)>
#map2 = affine_map<(d0, d1) -> (0)>
module attributes {stable_mosaic.version = 14 : i64} {
  func.func @_sc_kernel(%arg0: i32, %arg1: i32, %arg2: memref<128x2x128xf32, #tpu.memory_space<hbm>>, %arg3: memref<128x2x128xf32, #tpu.memory_space<hbm>>, %arg4: memref<8x8xf32, #tpu.memory_space<hbm>>, %arg5: memref<8xf32, #tpu.memory_space<hbm>>, %arg6: memref<16384xf32, #tpu.memory_space<hbm>>, %arg7: memref<4x2x128xf32, #tpu.memory_space<vmem>>, %arg8: memref<4x2x128xf32, #tpu.memory_space<vmem>>, %arg9: memref<8x8xf32, #tpu.memory_space<vmem>>, %arg10: memref<8xf32, #tpu.memory_space<vmem>>, %arg11: memref<512xf32, #tpu.memory_space<vmem>>, %arg12: memref<!tpu.dma_semaphore, #tpu.memory_space<semaphore_mem>>) attributes {dimension_semantics = [#tpu.dimension_semantics<core_parallel>, #tpu.dimension_semantics<subcore_parallel>], iteration_bounds = array<i64: 2, 16>, scalar_prefetch = 0 : i64, scratch_operands = 6 : i64, tpu.core_type = #tpu.core_type<sc_vector_subcore>, window_params = [{transform_indices = #map}, {transform_indices = #map}, {transform_indices = #map1}, {transform_indices = #map2}, {transform_indices = #map2}]} {
    %mul3A = arith.constant 2 : i32
    %mul3A_0 = arith.muli %arg1, %mul3A : i32
    %add3A = arith.addi %mul3A_0, %arg0 : i32
    %mul3A_1 = arith.constant 4 : i32
    %mul3A_2 = arith.muli %add3A, %mul3A_1 : i32
    %dma_start3A = arith.constant 0 : i32
    %dma_start3A_3 = arith.constant 0 : i32
    %dma_start3A_4 = tpu.memref_slice %arg2[%mul3A_2, %dma_start3A, %dma_start3A_3] : memref<128x2x128xf32, #tpu.memory_space<hbm>> -> memref<4x2x128xf32, #tpu.memory_space<hbm>>
    %dma_start3A_5 = arith.constant 0 : i32
    %dma_start3A_6 = arith.constant 0 : i32
    %dma_start3A_7 = tpu.memref_slice %arg2[%mul3A_2, %dma_start3A_5, %dma_start3A_6] : memref<128x2x128xf32, #tpu.memory_space<hbm>> -> memref<4x2x128xf32, #tpu.memory_space<hbm>>
    tpu.enqueue_dma source(%dma_start3A_7 : memref<4x2x128xf32, #tpu.memory_space<hbm>>) target(%arg7 : memref<4x2x128xf32, #tpu.memory_space<vmem>>) target_semaphore(%arg12 : memref<!tpu.dma_semaphore, #tpu.memory_space<semaphore_mem>>)
    %dma_start3A_8 = arith.constant 0 : i32
    %dma_start3A_9 = arith.constant 0 : i32
    %dma_start3A_10 = tpu.memref_slice %arg3[%mul3A_2, %dma_start3A_8, %dma_start3A_9] : memref<128x2x128xf32, #tpu.memory_space<hbm>> -> memref<4x2x128xf32, #tpu.memory_space<hbm>>
    %dma_start3A_11 = arith.constant 0 : i32
    %dma_start3A_12 = arith.constant 0 : i32
    %dma_start3A_13 = tpu.memref_slice %arg3[%mul3A_2, %dma_start3A_11, %dma_start3A_12] : memref<128x2x128xf32, #tpu.memory_space<hbm>> -> memref<4x2x128xf32, #tpu.memory_space<hbm>>
    tpu.enqueue_dma source(%dma_start3A_13 : memref<4x2x128xf32, #tpu.memory_space<hbm>>) target(%arg8 : memref<4x2x128xf32, #tpu.memory_space<vmem>>) target_semaphore(%arg12 : memref<!tpu.dma_semaphore, #tpu.memory_space<semaphore_mem>>)
    tpu.enqueue_dma source(%arg4 : memref<8x8xf32, #tpu.memory_space<hbm>>) target(%arg9 : memref<8x8xf32, #tpu.memory_space<vmem>>) target_semaphore(%arg12 : memref<!tpu.dma_semaphore, #tpu.memory_space<semaphore_mem>>)
    tpu.enqueue_dma source(%arg5 : memref<8xf32, #tpu.memory_space<hbm>>) target(%arg10 : memref<8xf32, #tpu.memory_space<vmem>>) target_semaphore(%arg12 : memref<!tpu.dma_semaphore, #tpu.memory_space<semaphore_mem>>)
    %dma_wait3A = arith.constant 0 : i32
    %dma_wait3A_14 = arith.constant 0 : i32
    %dma_wait3A_15 = tpu.memref_slice %arg2[%mul3A_2, %dma_wait3A, %dma_wait3A_14] : memref<128x2x128xf32, #tpu.memory_space<hbm>> -> memref<4x2x128xf32, #tpu.memory_space<hbm>>
    %dma_wait3A_16 = arith.constant 0 : i32
    %dma_wait3A_17 = arith.constant 0 : i32
    %dma_wait3A_18 = tpu.memref_slice %arg2[%mul3A_2, %dma_wait3A_16, %dma_wait3A_17] : memref<128x2x128xf32, #tpu.memory_space<hbm>> -> memref<4x2x128xf32, #tpu.memory_space<hbm>>
    tpu.wait_dma2 semaphore(%arg12 : memref<!tpu.dma_semaphore, #tpu.memory_space<semaphore_mem>>) src(%dma_wait3A_18 : memref<4x2x128xf32, #tpu.memory_space<hbm>>) dst(%arg7 : memref<4x2x128xf32, #tpu.memory_space<vmem>>)
    %dma_wait3A_19 = arith.constant 0 : i32
    %dma_wait3A_20 = arith.constant 0 : i32
    %dma_wait3A_21 = tpu.memref_slice %arg3[%mul3A_2, %dma_wait3A_19, %dma_wait3A_20] : memref<128x2x128xf32, #tpu.memory_space<hbm>> -> memref<4x2x128xf32, #tpu.memory_space<hbm>>
    %dma_wait3A_22 = arith.constant 0 : i32
    %dma_wait3A_23 = arith.constant 0 : i32
    %dma_wait3A_24 = tpu.memref_slice %arg3[%mul3A_2, %dma_wait3A_22, %dma_wait3A_23] : memref<128x2x128xf32, #tpu.memory_space<hbm>> -> memref<4x2x128xf32, #tpu.memory_space<hbm>>
    tpu.wait_dma2 semaphore(%arg12 : memref<!tpu.dma_semaphore, #tpu.memory_space<semaphore_mem>>) src(%dma_wait3A_24 : memref<4x2x128xf32, #tpu.memory_space<hbm>>) dst(%arg8 : memref<4x2x128xf32, #tpu.memory_space<vmem>>)
    tpu.wait_dma2 semaphore(%arg12 : memref<!tpu.dma_semaphore, #tpu.memory_space<semaphore_mem>>) src(%arg4 : memref<8x8xf32, #tpu.memory_space<hbm>>) dst(%arg9 : memref<8x8xf32, #tpu.memory_space<vmem>>)
    tpu.wait_dma2 semaphore(%arg12 : memref<!tpu.dma_semaphore, #tpu.memory_space<semaphore_mem>>) src(%arg5 : memref<8xf32, #tpu.memory_space<hbm>>) dst(%arg10 : memref<8xf32, #tpu.memory_space<vmem>>)
    %parallel_loop3A = arith.constant 0 : i32
    %parallel_loop3A_25 = arith.constant 32 : i32
    %parallel_loop3A_26 = arith.constant 1 : i32
    scf.for %parallel_loop3A_29 = %parallel_loop3A to %parallel_loop3A_25 step %parallel_loop3A_26  : i32 {
      %parallel_loop3A_30 = arith.constant 3 : i32
      %parallel_loop3A_31 = arith.shrsi %parallel_loop3A_29, %parallel_loop3A_30 : i32
      %parallel_loop3A_32 = arith.constant 7 : i32
      %parallel_loop3A_33 = arith.andi %parallel_loop3A_29, %parallel_loop3A_32 : i32
      %parallel_loop3A_34 = arith.constant 16 : i32
      %parallel_loop3A_35 = arith.muli %parallel_loop3A_33, %parallel_loop3A_34 : i32
      %parallel_loop3A_36 = arith.constant 0 : i32
      %parallel_loop3A_37 = arith.index_cast %parallel_loop3A_31 : i32 to index
      %parallel_loop3A_38 = arith.index_cast %parallel_loop3A_36 : i32 to index
      %parallel_loop3A_39 = arith.index_cast %parallel_loop3A_35 : i32 to index
      %parallel_loop3A_40 = tpu.vector_load %arg7[%parallel_loop3A_37, %parallel_loop3A_38, %parallel_loop3A_39] {strides = array<i32>} : memref<4x2x128xf32, #tpu.memory_space<vmem>>, vector<16xf32>,
      %parallel_loop3A_41 = arith.constant 0 : i32
      %parallel_loop3A_42 = arith.index_cast %parallel_loop3A_31 : i32 to index
      %parallel_loop3A_43 = arith.index_cast %parallel_loop3A_41 : i32 to index
      %parallel_loop3A_44 = arith.index_cast %parallel_loop3A_35 : i32 to index
      %parallel_loop3A_45 = tpu.vector_load %arg8[%parallel_loop3A_42, %parallel_loop3A_43, %parallel_loop3A_44] {strides = array<i32>} : memref<4x2x128xf32, #tpu.memory_space<vmem>>, vector<16xf32>,
      %parallel_loop3A_46 = arith.constant 1 : i32
      %parallel_loop3A_47 = arith.index_cast %parallel_loop3A_31 : i32 to index
      %parallel_loop3A_48 = arith.index_cast %parallel_loop3A_46 : i32 to index
      %parallel_loop3A_49 = arith.index_cast %parallel_loop3A_35 : i32 to index
      %parallel_loop3A_50 = tpu.vector_load %arg7[%parallel_loop3A_47, %parallel_loop3A_48, %parallel_loop3A_49] {strides = array<i32>} : memref<4x2x128xf32, #tpu.memory_space<vmem>>, vector<16xf32>,
      %parallel_loop3A_51 = arith.fptosi %parallel_loop3A_50 : vector<16xf32> to vector<16xi32>
      %parallel_loop3A_52 = arith.constant 1 : i32
      %parallel_loop3A_53 = arith.index_cast %parallel_loop3A_31 : i32 to index
      %parallel_loop3A_54 = arith.index_cast %parallel_loop3A_52 : i32 to index
      %parallel_loop3A_55 = arith.index_cast %parallel_loop3A_35 : i32 to index
      %parallel_loop3A_56 = tpu.vector_load %arg8[%parallel_loop3A_53, %parallel_loop3A_54, %parallel_loop3A_55] {strides = array<i32>} : memref<4x2x128xf32, #tpu.memory_space<vmem>>, vector<16xf32>,
      %parallel_loop3A_57 = arith.fptosi %parallel_loop3A_56 : vector<16xf32> to vector<16xi32>
      %parallel_loop3A_58 = tpu.vector_load_idx %arg9[%parallel_loop3A_51, %parallel_loop3A_57] : memref<8x8xf32, #tpu.memory_space<vmem>>[vector<16xi32>, vector<16xi32>], vector<16xf32>,
      %parallel_loop3A_59 = tpu.vector_load_idx %arg10[%parallel_loop3A_57] : memref<8xf32, #tpu.memory_space<vmem>>[vector<16xi32>], vector<16xf32>,
      %parallel_loop3A_60 = arith.constant 0.000000e+00 : f32
      %parallel_loop3A_61 = vector.broadcast %parallel_loop3A_60 : f32 to vector<16xf32>
      %parallel_loop3A_62 = arith.cmpf ogt, %parallel_loop3A_40, %parallel_loop3A_61 : vector<16xf32>
      %parallel_loop3A_63 = arith.mulf %parallel_loop3A_58, %parallel_loop3A_59 : vector<16xf32>
      %parallel_loop3A_64 = arith.subf %parallel_loop3A_45, %parallel_loop3A_40 : vector<16xf32>
      %parallel_loop3A_65 = arith.mulf %parallel_loop3A_59, %parallel_loop3A_64 : vector<16xf32>
      %parallel_loop3A_66 = math.exp %parallel_loop3A_65 : vector<16xf32>
      %parallel_loop3A_67 = arith.mulf %parallel_loop3A_63, %parallel_loop3A_66 : vector<16xf32>
      %parallel_loop3A_68 = arith.constant 0.000000e+00 : f32
      %parallel_loop3A_69 = vector.broadcast %parallel_loop3A_68 : f32 to vector<16xf32>
      %parallel_loop3A_70 = arith.select %parallel_loop3A_62, %parallel_loop3A_67, %parallel_loop3A_69 : vector<16xi1>, vector<16xf32>
      %parallel_loop3A_71 = arith.constant 128 : i32
      %parallel_loop3A_72 = arith.muli %parallel_loop3A_31, %parallel_loop3A_71 : i32
      %parallel_loop3A_73 = arith.addi %parallel_loop3A_72, %parallel_loop3A_35 : i32
      %parallel_loop3A_74 = arith.index_cast %parallel_loop3A_73 : i32 to index
      %parallel_loop3A_75 = tpu.vector_load %arg11[%parallel_loop3A_74] {strides = array<i32>} : memref<512xf32, #tpu.memory_space<vmem>>, vector<16xf32>,
      tpu.vector_store %arg11[%parallel_loop3A_74], %parallel_loop3A_70 {strides = array<i32>} : memref<512xf32, #tpu.memory_space<vmem>>, vector<16xf32>,
    } {sc.loop_unroll_factor = 4 : i64, sc.parallel_access}
    %mul3A_27 = arith.constant 512 : i32
    %mul3A_28 = arith.muli %add3A, %mul3A_27 : i32
    "tpu.region"() ({
      %run_scoped3A = tpu.sem_alloc : memref<!tpu.dma_semaphore, #tpu.memory_space<semaphore_mem>>
      %dma_start3A_29 = tpu.memref_slice %arg6[%mul3A_28] : memref<16384xf32, #tpu.memory_space<hbm>> -> memref<512xf32, #tpu.memory_space<hbm>>
      %dma_start3A_30 = tpu.memref_slice %arg6[%mul3A_28] : memref<16384xf32, #tpu.memory_space<hbm>> -> memref<512xf32, #tpu.memory_space<hbm>>
      tpu.enqueue_dma source(%arg11 : memref<512xf32, #tpu.memory_space<vmem>>) target(%dma_start3A_30 : memref<512xf32, #tpu.memory_space<hbm>>) target_semaphore(%run_scoped3A : memref<!tpu.dma_semaphore, #tpu.memory_space<semaphore_mem>>)
      %dma_wait3A_31 = tpu.memref_slice %arg6[%mul3A_28] : memref<16384xf32, #tpu.memory_space<hbm>> -> memref<512xf32, #tpu.memory_space<hbm>>
      %dma_wait3A_32 = tpu.memref_slice %arg6[%mul3A_28] : memref<16384xf32, #tpu.memory_space<hbm>> -> memref<512xf32, #tpu.memory_space<hbm>>
      tpu.wait_dma2 semaphore(%run_scoped3A : memref<!tpu.dma_semaphore, #tpu.memory_space<semaphore_mem>>) src(%arg11 : memref<512xf32, #tpu.memory_space<vmem>>) dst(%dma_wait3A_32 : memref<512xf32, #tpu.memory_space<hbm>>)
      tpu.yield
    }) : () -> ()
    return
  }
}

</mosaic_0001>

<sc_bundles>
// kernel: kernel.3.cloned.1.call-start
scs
__scs_entry_jumppad:
0x0: {  	(pc) =	sbr.rel $0x88, $3  }
0x1: {  	(tag) =	ssettag $0x0;
	lr =	simm.s32 $0x1  }
0x2: {  	[smem:$0x3F9D] =	sst lr;
	_ =	strace $0xD0000000  }
0x3: {  	_ = 	snop  }
0x4: {  	_ = 	snop  }
0x5: {  	_ = 	snop  }
0x6: {  	_ = 	snop  }
0x7: {  	_ = 	snop  }
__scs_overlays_trampoline_lowered:
0x8: {  	[smem:$0x3FAC] =	sst s0  }
0x9: {  	[smem:$0x3FAD] =	sst s1  }
0xa: {  	[smem:$0x3FAE] =	sst s2  }
0xb: {  	[smem:$0x3FAF] =	sst s3  }
0xc: {  	[smem:$0x3FB0] =	sst s4  }
0xd: {  	[smem:$0x3FB1] =	sst s5  }
0xe: {  	[smem:$0x3FB2] =	sst s6  }
0xf: {  	[smem:$0x3FB3] =	sst s7  }
0x10: {  	[smem:$0x3FB4] =	sst s8  }
0x11: {  	[smem:$0x3FB5] =	sst s9;
	s0 =	simm.s32 @!p0 $0x0  }
0x12: {  	s1 =	sld [smem:$0x3F9B];
	s0 =	simm.s32 @p0 $0x1  }
0x13: {  	[smem:$0x3FB6] =	sst s0;
	s0 =	simm.s32 @!p1 $0x0  }
0x14: {  	s2 =	sld [smem:$0x3F9A];
	s0 =	simm.s32 @p1 $0x1  }
0x15: {  	[smem:$0x3FB7] =	sst s0;
	s0 =	simm.s32 @!p2 $0x0  }
0x16: {  	s3 =	sld [smem:$0x3FDB];
	s0 =	simm.s32 @p2 $0x1  }
0x17: {  	s4 =	simm.s32 $0x1BF5;
	[smem:$0x3FB9] =	sst s0  }
0x18: {  	s0 =	sld [smem:$0x3F9C];
	_ =	swait.ge [sflag:s4], $0x0  }
0x19: {  	s7 =	sld [smem:$0x3F9D]  }
0x1a: {  	s8 =	sadd.s32 $0xFFFFE003, lr  }
0x1b: {  	s9 =	sadd.s32 $0xFFFFFEF7, lr;
	s5 =	simm.s32 $0xFFFFFFFF;
	p2 =	slt.u32 s8, $0xFFFFF086  }
0x1c: {  	p1 =	slt.u32 s9, $0xF7A;
	s5 =	simm.s32 @!p2 $0x0  }
0x1d: {  	s5 =	simm.s32 @p1 $0x1;
	p0 =	seq.s32 s7, s2  }
0x1e: {  	s7 =	smul.u32 @!p0 $0xF7A, s2;
	p2 =	seq.s32 @!p0 s5, $0x0  }
0x1f: {  	s9 =	smul.u32 $0xF7A, s1;
	s8 =	simm.s32 @!p0 $0x1BF5;
	p2 =	por !p2, p0  }
0x20: {  	[sflag:s8] =	ssyncset.s32 @!p0 $0xFFFFF086;
	s6 =	sadd.s32 @!p0 s3, s7;
	s7 =	simm.s32 @!p0 $0x108  }
0x21: {  	s3 =	sadd.s32 s3, s9;
	s6 =	sadd.s32 @!p0 $0x88, s6;
	s7 =	simm.s32 @p2 $0x1082  }
0x22: {  	[simem:s7], [sflag:s8] =	dma.local @!p0 [hbm:s6], $0xF7A  }
0x23: {  	s9 =	sor.u32 $0xD0000000, s2;
	s6 =	simm.s32 $0x108;
	_ =	swait.ge @!p0 [sflag:s8], $0x0  }
0x24: {  	s3 =	sadd.s32 $0x88, s3;
	s6 =	simm.s32 @!p1 $0x1082;
	[sflag:s4] =	ssyncset.s32 $0xFFFFF086  }
0x25: {  	[simem:s6], [sflag:s4] =	dma.local [hbm:s3], $0xF7A  }
0x26: {  	[smem:$0x3F9D] =	sst s1;
	(tag) =	ssettag s2;
	_ =	strace s9  }
0x27: {  	s1 =	sld [smem:$0x3FAD]  }
0x28: {  	s2 =	sld [smem:$0x3FAE]  }
0x29: {  	s4 =	sld [smem:$0x3FB0]  }
0x2a: {  	p0 =	seq.s32 s5, $0x0;
	s5 =	sld [smem:$0x3FB1]  }
0x2b: {  	s6 =	sld [smem:$0x3FB2]  }
0x2c: {  	s7 =	sld [smem:$0x3FB3]  }
0x2d: {  	s3 =	simm.s32 $0x108;
	s8 =	sld [smem:$0x3FB4]  }
0x2e: {  	s3 =	simm.s32 @!p0 $0x1082;
	s9 =	sld [smem:$0x3FB5]  }
0x2f: {  	lr =	sadd.s32 s0, s3;
	s0 =	sld [smem:$0x3FAC]  }
0x30: {  	s3 =	sld [smem:$0x3FAF]  }
0x31: {  	[smem:$0x3FB8] =	sst s10  }
0x32: {  	s10 =	sld [smem:$0x3FB6];
	_ =	sdelay $0x3  }
0x33: {  	p0 =	seq.s32 s10, $0x1;
	s10 =	sld [smem:$0x3FB8];
	_ =	sdelay $0x3  }
0x34: {  	[smem:$0x3FB8] =	sst s10  }
0x35: {  	s10 =	sld [smem:$0x3FB7];
	_ =	sdelay $0x3  }
0x36: {  	p1 =	seq.s32 s10, $0x1;
	s10 =	sld [smem:$0x3FB8];
	_ =	sdelay $0x3  }
0x37: {  	[smem:$0x3FB8] =	sst s10  }
0x38: {  	s10 =	sld [smem:$0x3FB9]  }
0x39: {  	_ = 	snop;
	(pc) =	sbr.ind lr, $3  }
0x3a: {  	_ = 	snop  }
0x3b: {  	_ = 	snop  }
0x3c: {  	p2 =	seq.s32 s10, $0x1;
	s10 =	sld [smem:$0x3FB8]  }
0x3d: {  	_ =	shalt  }
0x3e: {  	_ =	shalt  }
0x3f: {  	_ =	shalt  }
0x40: {  	_ =	shalt  }
0x41: {  	_ =	shalt  }
0x42: {  	_ =	shalt  }
0x43: {  	_ =	shalt  }
0x44: {  	_ =	shalt  }
0x45: {  	_ =	shalt  }
0x46: {  	_ =	shalt  }
0x47: {  	_ =	shalt  }
0x48: {  	_ =	shalt  }
0x49: {  	_ =	shalt  }
0x4a: {  	_ =	shalt  }
0x4b: {  	_ =	shalt  }
0x4c: {  	_ =	shalt  }
0x4d: {  	_ =	shalt  }
0x4e: {  	_ =	shalt  }
0x4f: {  	_ =	shalt  }
0x50: {  	_ =	shalt  }
0x51: {  	_ =	shalt  }
0x52: {  	_ =	shalt  }
0x53: {  	_ =	shalt  }
0x54: {  	_ =	shalt  }
0x55: {  	_ =	shalt  }
0x56: {  	_ =	shalt  }
0x57: {  	_ =	shalt  }
0x58: {  	_ =	shalt  }
0x59: {  	_ =	shalt  }
0x5a: {  	_ =	shalt  }
0x5b: {  	_ =	shalt  }
0x5c: {  	_ =	shalt  }
0x5d: {  	_ =	shalt  }
0x5e: {  	_ =	shalt  }
0x5f: {  	_ =	shalt  }
0x60: {  	_ =	shalt  }
0x61: {  	_ =	shalt  }
0x62: {  	_ =	shalt  }
0x63: {  	_ =	shalt  }
0x64: {  	_ =	shalt  }
0x65: {  	_ =	shalt  }
0x66: {  	_ =	shalt  }
0x67: {  	_ =	shalt  }
0x68: {  	_ =	shalt  }
0x69: {  	_ =	shalt  }
0x6a: {  	_ =	shalt  }
0x6b: {  	_ =	shalt  }
0x6c: {  	_ =	shalt  }
0x6d: {  	_ =	shalt  }
0x6e: {  	_ =	shalt  }
0x6f: {  	_ =	shalt  }
0x70: {  	_ =	shalt  }
0x71: {  	_ =	shalt  }
0x72: {  	_ =	shalt  }
0x73: {  	_ =	shalt  }
0x74: {  	_ =	shalt  }
0x75: {  	_ =	shalt  }
0x76: {  	_ =	shalt  }
0x77: {  	_ =	shalt  }
0x78: {  	_ =	shalt  }
0x79: {  	_ =	shalt  }
0x7a: {  	_ =	shalt  }
0x7b: {  	_ =	shalt  }
0x7c: {  	_ =	shalt  }
0x7d: {  	_ =	shalt  }
0x7e: {  	_ =	shalt  }
0x7f: {  	_ =	shalt  }
0x80: {  	_ =	shalt  }
0x81: {  	_ =	shalt  }
0x82: {  	_ =	shalt  }
0x83: {  	_ =	shalt  }
0x84: {  	_ =	shalt  }
0x85: {  	_ =	shalt  }
0x86: {  	_ =	shalt  }
0x87: {  	_ =	shalt  }
.Lfunc_end0:
.L_simem_size_0:
called_computation_lowered:
.L_overlay_start_0:
0x88: {  	s2 =	sld [smem:$0x3FD9]  }
0x89: {  	s3 =	sld [smem:$0x3FFE];
	_ =	sdelay $0x1  }
0x8a: {  	s1 =	srdreg.scid  }
0x8b: {  	s0 =	sand.u32 $0x1, s1  }
0x8c: {  	s18 =	sshll.u32 s0, $0xA;
	s2 =	sadd.s32 s3, s2  }
0x8d: {  	s2 =	sadd.s32 s2, s18  }
0x8e: {  	[smem:$0x3FC4] =	sst s2  }
0x8f: {  	_ = 	snop  }
0x90: {  	s2 =	sld [smem:$0x3FC9]  }
0x91: {  	s19 =	sld [smem:$0x3FC8]  }
0x92: {  	s4 =	sld [smem:$0x3FC7]  }
0x93: {  	s5 =	sld [smem:$0x3FC6]  }
0x94: {  	s6 =	sld [smem:$0x3FD0];
	(tm) =	ssettm $0x1  }
0x95: {  	s7 =	sld [smem:$0x3FFB];
	_ =	sdelay $0x3  }
0x96: {  	_ =	strace s7  }
0x97: {  	s7 =	sld [smem:$0x3FFC];
	_ =	sdelay $0x3  }
0x98: {  	_ =	strace s7  }
0x99: {  	s7 =	sld [smem:$0x3FFD];
	_ =	sdelay $0x3  }
0x9a: {  	_ =	strace s7  }
0x9b: {  	_ =	strace $0x8FFFFFFF  }
0x9c: {  	s20 =	sld [smem:$0x3FDB];
	_ =	sdelay $0x1  }
0x9d: {  	s8 =	simm.s32 $_scs_section_size  }
0x9e: {  	s9 =	simm.s32 $_size__tile_overlayer_lowered;
	s10 =	simm.s32 $_tile_overlayer_lowered  }
0x9f: {  	s23 =	simm.s32 $0x1BFF;
	s22 =	sshll.u32 s10, $0x1;
	s7 =	sadd.s32 s8, s20  }
0xa0: {  	s11 =	simm.s32 $0x0;
	s21 =	sshll.u32 s9, $0x1;
	s9 =	sadd.s32 s22, s7  }
0xa1: {  	[timem:s11], [sflag:s23] =	dma.local [hbm:s9], s21  }
0xa2: {  	_ =	swait.ge [sflag:s23], s21  }
0xa3: {  	s8 =	ssub.s32 $0x0, s21;
	[sflag:s23] =	ssyncset.done $0x0  }
0xa4: {  	[sflag:s23] =	ssyncadd.s32 s8;
	_ =	sdelay $0x1  }
0xa5: {  	s24 =	simm.s32 $0x1B8B  }
0xa6: {  	_ =	swait.ge [sflag:s24], $0x1  }
0xa7: {  	[sflag:s24] =	ssyncset.done $0x0  }
0xa8: {  	s25 =	simm.s32 $0x1B8E;
	[sflag:s24] =	ssyncadd.s32 $0xFFFFFFFF  }
0xa9: {  	s26 =	simm.s32 $execute0_lowered;
	[smem:$0x3FD2] =	sst s25  }
0xaa: {  	s8 =	sshll.u32 s26, $0x1;
	_ =	strace $0x80000046;
	[dreg:$0x1] =	wrdreg $0xFFFFFFFF  }
0xab: {  	s28 =	simm.s32 $_size_execute0_lowered;
	s7 =	sadd.s32 s7, s8;
	[dreg:$0x0] =	wrdreg $0x0  }
0xac: {  	s8 =	sshll.u32 s28, $0x1;
	[dreg:$0x2] =	wrdreg s7  }
0xad: {  	[dreg:$0x3] =	wrdreg s8  }
0xae: {  	[dreg:$0x4] =	wrdreg $0xC0  }
0xaf: {  	_ =	task [dreg:s11], $0x5FFFF  }
0xb0: {  	[dreg:$0x1] =	wrdreg $0xFFFFFFFF  }
0xb1: {  	[dreg:$0x0] =	wrdreg $0x60  }
0xb2: {  	[dreg:$0x2] =	wrdreg s2  }
0xb3: {  	[dreg:$0x3] =	wrdreg s19  }
0xb4: {  	[dreg:$0x4] =	wrdreg s4  }
0xb5: {  	[dreg:$0x5] =	wrdreg s5  }
0xb6: {  	[dreg:$0x6] =	wrdreg s6  }
0xb7: {  	[dreg:$0x7] =	wrdreg $0x9  }
0xb8: {  	_ =	task.clear_ibuf [dreg:s11], $0x8FFFF;
	_ =	strace $0x90000046  }
0xb9: {  	s29 =	simm.s32 $0x9;
	_ =	strace $0x80000048  }
0xba: {  	_ =	swait.ge [sflag:s29], $0x1  }
0xbb: {  	[sflag:s29] =	ssyncadd.s32 $0xFFFFFFFF  }
0xbc: {  	_ =	strace $0x90000048  }
0xbd: {  	_ =	sfence  }
0xbe: {  	s30 =	sld [smem:$0x0];
	_ =	sdelay $0x2  }
0xbf: {  	s31 =	sshll.u32 s1, $0xD;
	s1 =	sshrl.u32 s1, $0x2  }
0xc0: {  	s3 =	sand.u32 $0x4000, s31;
	s1 =	sadd.s32 s1, s30  }
0xc1: {  	s0 =	sor.u32 s3, s0;
	s1 =	sshll.u32 s1, $0x11  }
0xc2: {  	s0 =	sor.u32 s1, s0  }
0xc3: {  	s0 =	sadd.s32 $0x8F2B, s0  }
0xc4: {  	[sflag:s0] =	ssyncadd.remote.s32 $0x1  }
0xc5: {  	_ =	sfence.sel $0xFFFF  }
0xc6: {  	[dreg:$0x0] =	wrdreg $0xFFFFFFFF;
	(pc) =	sbr.abs _section_cstart, $3  }
0xc7: {  	[dreg:$0x1] =	wrdreg $0xFFFFFFFF  }
0xc8: {  	_ =	task.clear_ibuf [dreg:s11], $0x2FFFF;
	_ =	strace $0x9FFFFFFF  }
0xc9: {  	(tm) =	ssettm $0x7FFFFFFF  }
tec
execute0_lowered:
.L_overlay_start_1:
0x0: {  	(tag) =	ssettag $0x1  }
0x1: {  	s0 =	rddreg [dreg:$0x0]  }
0x2: {  	s1 =	rddreg [dreg:$0x1]  }
0x3: {  	s2 =	rddreg [dreg:$0x4];
	s3 =	srdreg.scid  }
0x4: {  	s6 =	stileid.u32;
	s4 =	simm.s32 $0x0;
	s10 =	simm.s32 $0x800  }
0x5: {  	s11 =	simm.s32 $0xC00;
	s12 =	simm.s32 $0x1;
	s14 =	simm.s32 $0x2  }
0x6: {  	s15 =	simm.s32 $0x0;
	s3 =	sand.u32 $0x1, s3;
	s6 =	sshll.u32 s6, $0x1  }
0x7: {  	[smem:$0x7FF] =	sst s4;
	s5 =	ssub.s32 $0x2, s3;
	s3 =	sor.u32 s3, s6  }
0x8: {  	_ =	strace $0x80000047;
	s7 =	sshrl.u32 s5, $0x1;
	s6 =	sshll.u32 s3, $0x7  }
0x9: {  	s31 =	sshll.u32 s3, $0x6;
	s8 =	ssub.s32 s5, s7;
	s5 =	sadd.s32 s0, s6  }
0xa: {  	s6 =	sadd.s32 s1, s6;
	s7 =	sadd.s32 s2, s31;
	s8 =	smax.u32 s8, $0x1  }
.LBB2_1:
0xb: {  	[tilespmem:s4], [sflag:$0x1] =	stream.linear.gather [hbm4b:s5+s4], $0x400, $0x38;
	[tilespmem:$0xE80] =	vst v63  }
0xc: {  	s0 =	simm.s32 $0x400  }
0xd: {  	[tilespmem:s0], [sflag:$0x1] =	stream.linear.gather [hbm4b:s6+s4], $0x400, $0x38;
	[tilespmem:$0xE80] =	vst v63  }
0xe: {  	s13 =	rddreg [dreg:$0x2]  }
0xf: {  	[tilespmem:s10], [sflag:$0x1] =	stream.linear.gather [hbm4b:s13+s4], $0x400, $0x38;
	[tilespmem:$0xE80] =	vst v63  }
0x10: {  	s16 =	rddreg [dreg:$0x3]  }
0x11: {  	[tilespmem:s11], [sflag:$0x1] =	stream.linear.gather [hbm4b:s16+s4], $0x80, $0x38;
	[tilespmem:$0xE80] =	vst v63  }
0x12: {  	_ =	swait.ge [sflag:s12], $0x400  }
0x13: {  	[sflag:s12] =	ssyncset.done $0x0  }
0x14: {  	[sflag:s12] =	ssyncadd.s32 $0xFFFFFC00  }
0x15: {  	_ =	swait.ge [sflag:s12], $0x400  }
0x16: {  	[sflag:s12] =	ssyncset.done $0x0  }
0x17: {  	[sflag:s12] =	ssyncadd.s32 $0xFFFFFC00  }
0x18: {  	_ =	swait.ge [sflag:s12], $0x400  }
0x19: {  	[sflag:s12] =	ssyncset.done $0x0  }
0x1a: {  	[sflag:s12] =	ssyncadd.s32 $0xFFFFFC00  }
0x1b: {  	s22 =	sand.u32 $0x40, s4;
	s17 =	simm.s32 $0x0;
	_ =	swait.ge [sflag:s12], $0x80  }
0x1c: {  	s21 =	sor.u32 $0x30, s22;
	s0 =	sand.u32 $0xFFFFFF00, s17;
	[sflag:s12] =	ssyncset.done $0x0  }
0x1d: {  	s1 =	sor.u32 s0, s21;
	[sflag:s12] =	ssyncadd.s32 $0xFFFFFF80  }
0x1e: {  	s24 =	sor.u32 $0x10, s22;
	s2 =	sor.u32 s22, s0;
	v0 =	vld [tilespmem:s1+$0x480]  }
0x1f: {  	s23 =	sor.u32 $0x20, s22;
	s3 =	sor.u32 s0, s24;
	v1 =	vld [tilespmem:s2+$0x480]  }
0x20: {  	s0 =	sor.u32 s0, s23;
	v2 =	vld [tilespmem:s3+$0x480]  }
0x21: {  	v3 =	vld [tilespmem:s0+$0x480]  }
0x22: {  	v4 =	vld [tilespmem:s2+$0x0]  }
0x23: {  	v5 =	vld [tilespmem:s2+$0x400]  }
0x24: {  	v8 =	vld [tilespmem:s3+$0x0]  }
0x25: {  	v6 =	vld [tilespmem:s1+$0x80]  }
0x26: {  	v9 =	vld [tilespmem:s3+$0x400]  }
0x27: {  	v10 =	vld [tilespmem:s0+$0x0]  }
0x28: {  	v11 =	vld [tilespmem:s1+$0x0];
	v0 =	vtrunc.f32 v0  }
0x29: {  	v12 =	vld [tilespmem:s1+$0x400];
	v1 =	vtrunc.f32 v1;
	v0 =	vcvt.f32.s32 v0  }
0x2a: {  	v15 =	vld [tilespmem:s2+$0x80];
	v2 =	vtrunc.f32 v2;
	v1 =	vcvt.f32.s32 v1  }
0x2b: {  	v14 =	vld [tilespmem:s0+$0x400];
	v3 =	vtrunc.f32 v3;
	v2 =	vcvt.f32.s32 v2  }
0x2c: {  	v3 =	vcvt.f32.s32 v3  }
0x2d: {  	v19 =	vld [tilespmem:s3+$0x80];
	v16 =	vsub.f32 v5, v4  }
0x2e: {  	v21 =	vld [tilespmem:s0+$0x80];
	v6 =	vtrunc.f32 v6;
	v12 =	vsub.f32 v12, v11;
	v9 =	vsub.f32 v9, v8  }
0x2f: {  	vm1 =	vgt.f32 v4, $0.0e+00;
	v4 =	vtrunc.f32 v15;
	v6 =	vcvt.f32.s32 v6;
	v13 =	vld.idx.msk [tilespmem:v0+s11+$0x0], $0xffff  }
0x30: {  	s18 =	simm.s32 $0x40;
	s19 =	simm.s32 $0x80;
	v14 =	vsub.f32 v14, v10;
	vm2 =	vgt.f32 v8, $0.0e+00;
	vm0 =	vgt.f32 v10, $0.0e+00;
	v5 =	vld.idx.msk [tilespmem:v1+s11+$0x0], $0xffff  }
0x31: {  	s28 =	sand.u32 $0x40, s18;
	s20 =	sand.u32 $0xFFFFFF00, s19;
	v4 =	vcvt.f32.s32 v4;
	v17 =	vand.u32 $0xFFFFFF80, v0;
	v6 =	vshll.u32 v6, $0x7;
	v7 =	vld.idx.msk [tilespmem:v2+s11+$0x0], $0xffff  }
0x32: {  	s26 =	sor.u32 s28, s20;
	vm3 =	vmmov vm1;
	vm1 =	vgt.f32 v11, $0.0e+00;
	v17 =	vadd.s32 v6, v17;
	v6 =	vld.idx.msk [tilespmem:v3+s11+$0x0], $0xffff  }
0x33: {  	v27 =	vld [tilespmem:s26+$0x80];
	v18 =	vand.u32 $0xFFFFFF80, v1;
	v20 =	vand.u32 $0xFFFFFF80, v3;
	v4 =	vshll.u32 v4, $0x7  }
0x34: {  	s30 =	sor.u32 $0x20, s28;
	v4 =	vadd.s32 v4, v18;
	v18 =	vld [tilespmem:s26+$0x0];
	v0 =	vand.u32 $0x7F, v0;
	v1 =	vand.u32 $0x7F, v1  }
0x35: {  	s29 =	sor.u32 $0x30, s28;
	s0 =	sor.u32 s20, s30;
	v0 =	vor.u32 v0, v17;
	v4 =	vor.u32 v1, v4;
	v1 =	vld [tilespmem:s26+$0x400];
	v12 =	vmul.f32 v13, v12  }
0x36: {  	s31 =	sor.u32 $0x10, s28;
	s25 =	sor.u32 s20, s29;
	v24 =	vld [tilespmem:s0+$0x400];
	v3 =	vand.u32 $0x7F, v3;
	v15 =	vmul.f32 v5, v16;
	v8 =	vmul.f32 v7, v9  }
0x37: {  	s1 =	sor.u32 s20, s31;
	v17 =	vand.u32 $0xFFFFFF80, v2;
	v16 =	vld [tilespmem:s25+$0x480];
	v9 =	vtrunc.f32 v19;
	v10 =	vmul.f32 v6, v14  }
0x38: {  	v2 =	vand.u32 $0x7F, v2;
	v14 =	vtrunc.f32 v21;
	v19 =	vld [tilespmem:s1+$0x480];
	v9 =	vcvt.f32.s32 v9  }
0x39: {  	vm4 =	vgt.f32 v18, $0.0e+00;
	v21 =	vld [tilespmem:s0+$0x480];
	v14 =	vcvt.f32.s32 v14;
	v12 =	vmul.f32 $1.442695020e+00, v12  }
0x3a: {  	v0 =	vld.idx.msk [tilespmem:v0+s10+$0x0], $0xffff;
	v11 =	vsub.f32 v1, v18;
	v15 =	vmul.f32 $1.442695020e+00, v15;
	v8 =	vmul.f32 $1.442695020e+00, v8  }
0x3b: {  	v18 =	vld [tilespmem:s1+$0x80];
	v10 =	vmul.f32 $1.442695020e+00, v10;
	v9 =	vshll.u32 v9, $0x7;
	(erf) = vpow2.f32 v12  }
0x3c: {  	v14 =	vshll.u32 v14, $0x7;
	v12 =	vld [tilespmem:s26+$0x480];
	v9 =	vadd.s32 v9, v17;
	(erf) = vpow2.f32 v15  }
0x3d: {  	v15 =	vtrunc.f32 v16;
	v16 =	vor.u32 v2, v9;
	v9 =	vadd.s32 v14, v20;
	v14 =	vld [tilespmem:s25+$0x80]  }
0x3e: {  	v17 =	vtrunc.f32 v21;
	v20 =	vld [tilespmem:s25+$0x400];
	(erf) = vpow2.f32 v8;
	v3 =	vor.u32 v3, v9  }
0x3f: {  	v8 =	vld [tilespmem:s1+$0x0];
	v15 =	vcvt.f32.s32 v15;
	v0 =	vmul.f32 v13, v0  }
0x40: {  	s20 =	simm.s32 $0x80;
	v17 =	vcvt.f32.s32 v17;
	(erf) = vpow2.f32 v10;
	v10 =	vld [tilespmem:s1+$0x400]  }
0x41: {  	s16 =	sand.u32 $0x40, s20;
	vm0 =	vmmov vm0;
	v13 =	vtrunc.f32 v19;
	v19 =	vld [tilespmem:s25+$0x0];
	s1 =	simm.s32 $0x100;
	v2 =	vtrunc.f32 v12  }
0x42: {  	s19 =	sor.u32 $0x30, s16;
	vm2 =	vmmov vm2;
	v13 =	vcvt.f32.s32 v13;
	s2 =	sand.u32 $0xFFFFFF00, s1;
	v12 =	vld [tilespmem:s0+$0x0];
	v2 =	vcvt.f32.s32 v2  }
0x43: {  	vm0 =	vmmov vm0;
	v29 =	vand.u32 $0x7F, v17;
	s9 =	sor.u32 s2, s19;
	v1 =	vtrunc.f32 v14;
	v30 =	vld.idx.msk [tilespmem:v3+s10+$0x0], $0xffff  }
0x44: {  	v25 =	vand.u32 $0xFFFFFF80, v13;
	v26 =	vand.u32 $0x7F, v13;
	v28 =	vcvt.f32.s32 v1;
	v3 =	vld [tilespmem:s9+$0x480]  }
0x45: {  	v14 =	vand.u32 $0xFFFFFF80, v17;
	vm6 =	vgt.f32 v8, $0.0e+00;
	v21 =	vld.idx.msk [tilespmem:v15+s11+$0x0], $0xffff;
	v10 =	vsub.f32 v10, v8;
	v9 =	vpop (erf)  }
0x46: {  	v1 =	vld.idx.msk [tilespmem:v17+s11+$0x0], $0xffff;
	v8 =	vand.u32 $0xFFFFFF80, v15;
	v17 =	vshll.u32 v28, $0x7;
	v0 =	vmul.f32 v9, v0  }
0x47: {  	v22 =	vand.u32 $0xFFFFFF80, v2;
	v8 =	vadd.s32 v17, v8;
	v17 =	vtrunc.f32 v27;
	v27 =	vld.idx.msk [tilespmem:v16+s10+$0x0], $0xffff  }
0x48: {  	v23 =	vand.u32 $0x7F, v2;
	v15 =	vand.u32 $0x7F, v15;
	v9 =	vnsel vm1, $0x0, v0;
	v0 =	vld.idx.msk [tilespmem:v2+s11+$0x0], $0xffff  }
0x49: {  	v8 =	vor.u32 v15, v8;
	v15 =	vcvt.f32.s32 v17;
	v2 =	vld.idx.msk [tilespmem:v13+s11+$0x0], $0xffff;
	v13 =	vsub.f32 v20, v19  }
0x4a: {  	vm1 =	vgt.f32 v12, $0.0e+00;
	v12 =	vsub.f32 v24, v12;
	v3 =	vtrunc.f32 v3  }
0x4b: {  	vm3 =	vmmov vm3;
	v20 =	vld [tilespmem:s0+$0x80];
	v30 =	vmul.f32 v6, v30;
	v13 =	vmul.f32 v21, v13  }
0x4c: {  	vm5 =	vmmov vm2;
	v32 =	vcvt.f32.s32 v3;
	v12 =	vmul.f32 v1, v12  }
0x4d: {  	vm4 =	vmmov vm4;
	v24 =	vld.idx.msk [tilespmem:v4+s10+$0x0], $0xffff;
	v7 =	vmul.f32 v7, v27;
	v13 =	vmul.f32 $1.442695020e+00, v13  }
0x4e: {  	s18 =	sor.u32 $0x20, s16;
	v33 =	vld [tilespmem:s9+$0x80];
	vm2 =	vmmov vm6;
	v11 =	vmul.f32 v0, v11;
	v10 =	vmul.f32 v2, v10  }
0x4f: {  	s26 =	sor.u32 s2, s18;
	vm6 =	vgt.f32 v19, $0.0e+00;
	v16 =	vld.idx.msk [tilespmem:v8+s10+$0x0], $0xffff;
	(erf) = vpow2.f32 v13;
	v13 =	vtrunc.f32 v18  }
0x50: {  	s17 =	sor.u32 $0x10, s16;
	s13 =	sor.u32 s16, s2;
	v4 =	vshll.u32 v15, $0x7;
	v15 =	vtrunc.f32 v20;
	v20 =	vld [tilespmem:s26+$0x480];
	v13 =	vcvt.f32.s32 v13  }
0x51: {  	v17 =	vld [tilespmem:s13+$0x480];
	s0 =	sor.u32 s2, s17;
	v4 =	vadd.s32 v4, v22;
	v8 =	vmul.f32 $1.442695020e+00, v11;
	v11 =	vcvt.f32.s32 v15  }
0x52: {  	v4 =	vor.u32 v23, v4;
	v12 =	vmul.f32 $1.442695020e+00, v12;
	v24 =	vmul.f32 v5, v24;
	v15 =	vld [tilespmem:s0+$0x480]  }
0x53: {  	v31 =	vld [tilespmem:s0+$0x0];
	v18 =	vmul.f32 $1.442695020e+00, v10;
	v13 =	vshll.u32 v13, $0x7;
	v11 =	vshll.u32 v11, $0x7  }
0x54: {  	(erf) = vpow2.f32 v8;
	v3 =	vmul.f32 v21, v16;
	v10 =	vadd.s32 v13, v25;
	v25 =	vld [tilespmem:s13+$0x0]  }
0x55: {  	v23 =	vpop (erf);
	v8 =	vadd.s32 v11, v14;
	(erf) = vpow2.f32 v18;
	v11 =	vld [tilespmem:s13+$0x400];
	v16 =	vtrunc.f32 v20  }
0x56: {  	v14 =	vld [tilespmem:s0+$0x400];
	v10 =	vor.u32 v26, v10;
	v26 =	vpop (erf);
	(erf) = vpow2.f32 v12;
	v12 =	vtrunc.f32 v17  }
0x57: {  	v18 =	vld [tilespmem:s26+$0x0];
	v8 =	vor.u32 v29, v8;
	v29 =	vpop (erf);
	v13 =	vtrunc.f32 v15;
	v20 =	vcvt.f32.s32 v12  }
0x58: {  	v36 =	vld [tilespmem:s9+$0x400];
	vm1 =	vmmov vm1;
	v24 =	vmul.f32 v23, v24;
	v21 =	vcvt.f32.s32 v13;
	v15 =	vpop (erf)  }
0x59: {  	v34 =	vcvt.f32.s32 v16;
	v17 =	vand.u32 $0xFFFFFF80, v20;
	v15 =	vmul.f32 v15, v3;
	v3 =	vld [tilespmem:s9+$0x0]  }
0x5a: {  	s25 =	simm.s32 $0x0;
	v28 =	vld [tilespmem:s13+$0x80];
	v16 =	vand.u32 $0x7F, v20;
	v19 =	vsub.f32 v11, v25;
	v12 =	vand.u32 $0xFFFFFF80, v21  }
0x5b: {  	s2 =	sand.u32 $0x3FFFFF80, s25;
	v13 =	vand.u32 $0x7F, v21;
	v22 =	vsub.f32 v14, v31;
	v14 =	vand.u32 $0xFFFFFF80, v34;
	v11 =	vld.idx.msk [tilespmem:v32+s11+$0x0], $0xffff  }
0x5c: {  	s3 =	sadd.s32 $0xC80, s2;
	v27 =	vld [tilespmem:s26+$0x400];
	vm7 =	vgt.f32 v25, $0.0e+00;
	v25 =	vtrunc.f32 v33;
	vm8 =	vgt.f32 v18, $0.0e+00;
	s9 =	simm.s32 $0x40  }
0x5d: {  	s25 =	sor.u32 s22, s3;
	s22 =	sor.u32 s24, s3;
	s2 =	sand.u32 $0x3FFFFF80, s9;
	v35 =	vnsel vm6, $0x0, v15;
	v5 =	vld.idx.msk [tilespmem:v20+s11+$0x0], $0xffff;
	vm6 =	vgt.f32 v31, $0.0e+00;
	v31 =	vcvt.f32.s32 v25  }
0x5e: {  	s13 =	sor.u32 s21, s3;
	s21 =	sor.u32 s23, s3;
	s23 =	sadd.s32 $0xC80, s2;
	v6 =	vpop (erf);
	v25 =	vmul.f32 v26, v7;
	v26 =	vmul.f32 v29, v30;
	v29 =	vld [tilespmem:s0+$0x80];
	v23 =	vsub.f32 v36, v3  }
0x5f: {  	[tilespmem:s13+$0x0] =	vst v9;
	v15 =	vand.u32 $0x7F, v34;
	v30 =	vand.u32 $0xFFFFFF80, v32;
	v20 =	vld.idx.msk [tilespmem:v21+s11+$0x0], $0xffff;
	s28 =	sor.u32 s28, s23;
	s24 =	sor.u32 s31, s23;
	s2 =	sor.u32 s29, s23;
	v7 =	vpop (erf);
	v63 =	vshll.u32 v31, $0x7  }
0x60: {  	v21 =	vld.idx.msk [tilespmem:v34+s11+$0x0], $0xffff;
	s29 =	sor.u32 s30, s23;
	s30 =	simm.s32 $0x8;
	s23 =	simm.s32 $0x8;
	[tilespmem:s2+$0x0] =	vst v35;
	v9 =	vpop (erf);
	v31 =	vand.u32 $0x7F, v32;
	v32 =	vadd.s32 v63, v30;
	v30 =	vmul.f32 v11, v23  }
.LBB2_2:
0x61: {  	v23 =	vtrunc.f32 v28;
	v18 =	vsub.f32 v27, v18;
	v27 =	vor.u32 v31, v32  }
0x62: {  	s30 =	sadd.s32 $0x4, s30;
	v28 =	vld [tilespmem:s26+$0x80];
	s20 =	sadd.s32 $0x40, s20;
	vm9 =	vmmov vm0;
	vm0 =	vmmov vm1;
	vm1 =	vmmov vm8  }
0x63: {  	s0 =	sand.u32 $0x40, s20;
	s1 =	sshll.u32 s30, $0x5;
	p0 =	slt.u32 s30, $0x1C;
	v32 =	vcvt.f32.s32 v23;
	v30 =	vmul.f32 $1.442695020e+00, v30;
	v31 =	vld.idx.msk [tilespmem:v4+s10+$0x0], $0xffff;
	v4 =	vnsel vm3, $0x0, v24  }
0x64: {  	v19 =	vmul.f32 v5, v19;
	s26 =	sand.u32 $0xFFFFFF00, s1;
	s3 =	sor.u32 $0x10, s0;
	s1 =	sor.u32 $0x30, s0;
	v24 =	vld.idx.msk [tilespmem:v10+s10+$0x0], $0xffff;
	[tilespmem:s25+$0x0] =	vst v4;
	v4 =	vnsel vm5, $0x0, v25;
	v10 =	vnsel vm9, $0x0, v26  }
0x65: {  	s9 =	sor.u32 $0x20, s0;
	v22 =	vmul.f32 v20, v22;
	s2 =	sor.u32 s0, s26;
	s13 =	sor.u32 s26, s1;
	v25 =	vshll.u32 v32, $0x7;
	(erf) = vpow2.f32 v30;
	v26 =	vld.idx.msk [tilespmem:v8+s10+$0x0], $0xffff;
	[tilespmem:s22+$0x0] =	vst v4;
	v23 =	vmovc v20  }
0x66: {  	s25 =	smov.u32 s28;
	s31 =	sor.u32 s26, s3;
	s26 =	sor.u32 s26, s9;
	v18 =	vmul.f32 v21, v18;
	v33 =	vmovc v21;
	v8 =	vld [tilespmem:s13+$0x480];
	v4 =	vadd.s32 v25, v17;
	v17 =	vtrunc.f32 v29;
	[tilespmem:s21+$0x0] =	vst v10  }
0x67: {  	s22 =	smov.u32 s24;
	s21 =	smov.u32 s29;
	v4 =	vor.u32 v16, v4;
	v10 =	vcvt.f32.s32 v17;
	v16 =	vtrunc.f32 v28;
	v17 =	vld.idx.msk [tilespmem:v27+s10+$0x0], $0xffff  }
0x68: {  	vm3 =	vmmov vm4;
	v19 =	vmul.f32 $1.442695020e+00, v19;
	v20 =	vld [tilespmem:s2+$0x480];
	v16 =	vcvt.f32.s32 v16  }
0x69: {  	v22 =	vmul.f32 $1.442695020e+00, v22;
	v18 =	vmul.f32 $1.442695020e+00, v18;
	v21 =	vld [tilespmem:s31+$0x480];
	v10 =	vshll.u32 v10, $0x7  }
0x6a: {  	v25 =	vld [tilespmem:s26+$0x480];
	v10 =	vadd.s32 v10, v12;
	v12 =	vshll.u32 v16, $0x7;
	(erf) = vpow2.f32 v19  }
0x6b: {  	v29 =	vld [tilespmem:s2+$0x0];
	v10 =	vor.u32 v13, v10;
	v12 =	vadd.s32 v12, v14;
	(erf) = vpow2.f32 v22  }
0x6c: {  	v14 =	vtrunc.f32 v8;
	v13 =	vld [tilespmem:s2+$0x400];
	v8 =	vor.u32 v15, v12;
	(erf) = vpow2.f32 v18  }
0x6d: {  	vm4 =	vmmov vm7;
	v32 =	vcvt.f32.s32 v14;
	v11 =	vmul.f32 v11, v17;
	v30 =	vld [tilespmem:s31+$0x0]  }
0x6e: {  	vm5 =	vmmov vm2;
	s24 =	sshll.u32 s23, $0x4;
	s23 =	smov.u32 s30;
	v12 =	vtrunc.f32 v20;
	v14 =	vld [tilespmem:s31+$0x400];
	v15 =	vtrunc.f32 v21;
	v16 =	vpop (erf)  }
0x6f: {  	vm2 =	vmmov vm6;
	s24 =	sand.u32 $0x3FFFFF80, s24;
	v18 =	vld [tilespmem:s26+$0x0];
	v17 =	vtrunc.f32 v25;
	v11 =	vmul.f32 v16, v11  }
0x70: {  	vm6 =	vgt.f32 v3, $0.0e+00;
	s29 =	sadd.s32 $0xC80, s24;
	v20 =	vcvt.f32.s32 v12;
	v21 =	vcvt.f32.s32 v15;
	v25 =	vld [tilespmem:s13+$0x80]  }
0x71: {  	s28 =	sor.u32 s16, s29;
	s24 =	sor.u32 s17, s29;
	s16 =	sor.u32 s19, s29;
	v34 =	vcvt.f32.s32 v17;
	v19 =	vsub.f32 v13, v29;
	v3 =	vld [tilespmem:s13+$0x0];
	v11 =	vnsel vm6, $0x0, v11  }
0x72: {  	s29 =	sor.u32 s18, s29;
	s17 =	smov.u32 s3;
	v17 =	vand.u32 $0xFFFFFF80, v20;
	v16 =	vand.u32 $0x7F, v20;
	v12 =	vand.u32 $0xFFFFFF80, v21;
	v35 =	vld [tilespmem:s13+$0x400];
	[tilespmem:s16+$0x0] =	vst v11;
	s16 =	smov.u32 s0  }
0x73: {  	s19 =	smov.u32 s1;
	s18 =	smov.u32 s9;
	v13 =	vand.u32 $0x7F, v21;
	v22 =	vsub.f32 v14, v30;
	v14 =	vand.u32 $0xFFFFFF80, v34;
	v11 =	vld.idx.msk [tilespmem:v32+s11+$0x0], $0xffff;
	v36 =	vpop (erf)  }
0x74: {  	v31 =	vmul.f32 v0, v31;
	v2 =	vmul.f32 v2, v24;
	v15 =	vand.u32 $0x7F, v34;
	v27 =	vld [tilespmem:s26+$0x400];
	v37 =	vpop (erf)  }
.Ltmp0:
0x75: {  	v1 =	vmul.f32 v1, v26;
	vm7 =	vgt.f32 v29, $0.0e+00;
	v28 =	vld [tilespmem:s2+$0x80];
	v24 =	vtrunc.f32 v25;
	v29 =	vpop (erf);
	(pc) =	sbr.rel @p0 .LBB2_2-.Ltmp0, $4  }
0x76: {  	v0 =	vmovc v5;
	vm6 =	vgt.f32 v30, $0.0e+00;
	v30 =	vcvt.f32.s32 v24;
	v24 =	vmul.f32 v6, v31;
	v6 =	vmovc v36;
	v5 =	vld.idx.msk [tilespmem:v20+s11+$0x0], $0xffff  }
0x77: {  	v26 =	vmul.f32 v9, v1;
	v25 =	vmul.f32 v7, v2;
	v20 =	vld.idx.msk [tilespmem:v21+s11+$0x0], $0xffff;
	v35 =	vsub.f32 v35, v3  }
0x78: {  	vm8 =	vgt.f32 v18, $0.0e+00;
	v7 =	vmovc v37;
	v36 =	vand.u32 $0xFFFFFF80, v32;
	v9 =	vmovc v29;
	v21 =	vld.idx.msk [tilespmem:v34+s11+$0x0], $0xffff;
	v34 =	vshll.u32 v30, $0x7  }
0x79: {  	v1 =	vmovc v33;
	v2 =	vmovc v23;
	v31 =	vand.u32 $0x7F, v32;
	v29 =	vld [tilespmem:s31+$0x80];
	v32 =	vadd.s32 v34, v36;
	v30 =	vmul.f32 v11, v35  }
0x7a: {  	v23 =	vld [tilespmem:s26+$0x80]  }
0x7b: {  	v28 =	vtrunc.f32 v28  }
0x7c: {  	v30 =	vmul.f32 $1.442695020e+00, v30;
	v28 =	vcvt.f32.s32 v28  }
0x7d: {  	v19 =	vmul.f32 v5, v19;
	v22 =	vmul.f32 v20, v22  }
0x7e: {  	v18 =	vsub.f32 v27, v18;
	(erf) = vpow2.f32 v30;
	v45 =	vtrunc.f32 v29  }
0x7f: {  	v31 =	vor.u32 v31, v32;
	v27 =	vcvt.f32.s32 v45;
	v23 =	vtrunc.f32 v23  }
0x80: {  	v28 =	vshll.u32 v28, $0x7;
	v18 =	vmul.f32 v21, v18;
	v23 =	vcvt.f32.s32 v23  }
0x81: {  	v19 =	vmul.f32 $1.442695020e+00, v19;
	v17 =	vadd.s32 v28, v17;
	v27 =	vshll.u32 v27, $0x7  }
0x82: {  	v16 =	vor.u32 v16, v17;
	v12 =	vadd.s32 v27, v12;
	v23 =	vshll.u32 v23, $0x7  }
0x83: {  	v4 =	vld.idx.msk [tilespmem:v4+s10+$0x0], $0xffff;
	v22 =	vmul.f32 $1.442695020e+00, v22;
	v12 =	vor.u32 v13, v12;
	v47 =	vadd.s32 v23, v14  }
0x84: {  	v46 =	vld.idx.msk [tilespmem:v31+s10+$0x0], $0xffff;
	v48 =	vmul.f32 $1.442695020e+00, v18;
	(erf) = vpow2.f32 v19;
	v13 =	vor.u32 v15, v47  }
0x85: {  	v10 =	vld.idx.msk [tilespmem:v10+s10+$0x0], $0xffff;
	vm0 =	vmmov vm0;
	vm9 =	vmmov vm1;
	(erf) = vpow2.f32 v22  }
0x86: {  	v8 =	vld.idx.msk [tilespmem:v8+s10+$0x0], $0xffff;
	vm15 =	vmmov vm8;
	v49 =	vnsel vm3, $0x0, v24;
	(erf) = vpow2.f32 v48  }
0x87: {  	v50 =	vnsel vm5, $0x0, v25;
	vm8 =	vmmov vm4;
	vm10 =	vmmov vm7;
	v16 =	vld.idx.msk [tilespmem:v16+s10+$0x0], $0xffff  }
0x88: {  	vm2 =	vmmov vm2;
	vm11 =	vmmov vm6;
	v0 =	vmul.f32 v0, v4;
	v12 =	vld.idx.msk [tilespmem:v12+s10+$0x0], $0xffff  }
0x89: {  	vm12 =	vgt.f32 v3, $0.0e+00;
	v51 =	vnsel vm0, $0x0, v26;
	v11 =	vmul.f32 v11, v46;
	v53 =	vld.idx.msk [tilespmem:v13+s10+$0x0], $0xffff  }
0x8a: {  	s0 =	sshll.u32 s23, $0x4;
	[tilespmem:s25+$0x0] =	vst v49;
	vm13 =	vmmov vm9;
	v2 =	vmul.f32 v2, v10;
	v0 =	vmul.f32 v6, v0;
	v52 =	vpop (erf)  }
0x8b: {  	s0 =	sand.u32 $0x3FFFFF80, s0;
	[tilespmem:s22+$0x0] =	vst v50;
	vm1 =	vmmov vm15;
	v1 =	vmul.f32 v1, v8;
	v11 =	vmul.f32 v52, v11  }
0x8c: {  	s0 =	sadd.s32 $0xC80, s0;
	[tilespmem:s21+$0x0] =	vst v51;
	v2 =	vmul.f32 v7, v2;
	v0 =	vnsel vm8, $0x0, v0;
	v54 =	vmul.f32 v5, v16  }
0x8d: {  	s1 =	sor.u32 s19, s0;
	v1 =	vmul.f32 v9, v1;
	[tilespmem:s28+$0x0] =	vst v0;
	v55 =	vpop (erf);
	v3 =	vnsel vm12, $0x0, v11;
	v56 =	vmul.f32 v20, v12  }
0x8e: {  	v58 =	vnsel vm2, $0x0, v2;
	v57 =	vpop (erf);
	[tilespmem:s1+$0x0] =	vst v3;
	v3 =	vmul.f32 v55, v54;
	v59 =	vmul.f32 v21, v53  }
0x8f: {  	vm0 =	vmmov vm10;
	v1 =	vnsel vm13, $0x0, v1;
	[tilespmem:s24+$0x0] =	vst v58;
	v60 =	vpop (erf);
	v61 =	vmul.f32 v57, v56  }
0x90: {  	vm14 =	vmmov vm11;
	s30 =	sor.u32 s16, s0;
	[tilespmem:s29+$0x0] =	vst v1;
	v63 =	vnsel vm0, $0x0, v3;
	v62 =	vmul.f32 v60, v59  }
0x91: {  	s15 =	sadd.s32 $0x1, s15;
	vm15 =	vmmov vm1;
	s2 =	sor.u32 s17, s0;
	[tilespmem:s30+$0x0] =	vst v63;
	v0 =	vnsel vm14, $0x0, v61  }
0x92: {  	p0 =	sne.s32 s15, s8;
	s0 =	sor.u32 s18, s0;
	v1 =	vnsel vm15, $0x0, v62;
	[tilespmem:s2+$0x0] =	vst v0  }
.Ltmp1:
0x93: {  	s31 =	simm.s32 $0xC80;
	[tilespmem:s0+$0x0] =	vst v1;
	(pc) =	sbr.rel @p0 .LBB2_1-.Ltmp1, $4  }
0x94: {  	[hbm4b:s7+s4] =	stream.linear.scatter [tilespmem:s31], [sflag:$0x2], $0x200, $0x38;
	[tilespmem:$0xE80] =	vst v63  }
0x95: {  	_ =	swait.ge [sflag:s14], $0x200  }
0x96: {  	[sflag:s14] =	ssyncset.done $0x0  }
0x97: {  	[sflag:s14] =	ssyncadd.s32 $0xFFFFFE00  }
0x98: {  	_ =	sfence.sel $0x180000  }
0x99: {  	[bflag:$0x0] =	sbarrier.arrive $0xFFFF  }
0x9a: {  	_ =	strace $0x90000047  }
0x9b: {  	s0 =	stileid.u32;
	[bflag:$0x2] =	sbarrier.arrive $0xFFFF  }
0x9c: {  	p0 =	sne.s32 s0, $0x0;
	s0 =	rddreg [dreg:$0x5]  }
0x9d: {  	s0 =	sadd.s32 @!p0 $0x100000, s0  }
0x9e: {  	[sflag:s0] =	ssyncadd.tile.s32 @!p0 $0x1;
	_ =	shalt  }
.Lfunc_end2:
_tile_overlayer_lowered:
.L_overlay_start_2:
0x9f: {  	(tag) =	ssettag $0x2  }
0xa0: {  	s0 =	rddreg [dreg:$0x0];
	s2 =	stileid.u32  }
0xa1: {  	s1 =	rddreg [dreg:$0x1];
	p0 =	sne.s32 s2, $0x0  }
0xa2: {  	s3 =	rddreg [dreg:$0x2];
	[bflag:$0x3] =	sbarrier.arrive $0xFFFF;
	s2 =	simm.s32 @!p0 $0x1C02  }
0xa3: {  	[timem:s3], [sflag:s2] =	dma.local @!p0 [hbm:s0], s1  }
0xa4: {  	s0 =	simm.s32 @!p0 $0x2  }
0xa5: {  	_ =	swait.ge @!p0 [sflag:s0], s1  }
0xa6: {  	s1 =	ssub.s32 @!p0 $0x0, s1;
	[sflag:s0] =	ssyncset.done @!p0 $0x0  }
0xa7: {  	[sflag:s0] =	ssyncadd.s32 @!p0 s1  }
0xa8: {  	[bflag:$0x3] =	sbarrier.arrive $0xFFFF  }
0xa9: {  	_ =	shalt  }

</sc_bundles>
